<compile_context>
chip_gen: v7x
topology: tpu7x:2x2x1
jax: 0.10.2.dev20260603
libtpu: 0.0.44.dev20260713+nightly
codegen_flags: <defaults>
</compile_context>

<pallas_src>
import functools

import jax
import jax.numpy as jnp
from jax import lax
from jax.experimental import pallas as pl
from jax.experimental.pallas import tpu as pltpu
from jax.experimental.pallas import tpu_sc as plsc

NC = 2
NS = 16
NW = NC * NS
B = 4 * 8192
D = 128
BPW = B // NW
CHUNK = 256
NCHUNK = BPW // CHUNK
NBUF = 3
WPR = 8192 // BPW


def _make_gather():
    mesh = plsc.VectorSubcoreMesh(core_axis_name="c", subcore_axis_name="s")

    @functools.partial(
        pl.kernel,
        mesh=mesh,
        out_type=jax.ShapeDtypeStruct((B, D), jnp.float32),
        scratch_types=[
            pltpu.VMEM((BPW,), jnp.int32),
            pltpu.VMEM((NBUF, CHUNK, D), jnp.float32),
            pltpu.SemaphoreType.DMA,
            pltpu.SemaphoreType.DMA,
        ],
    )
    def gather_kernel(idx_hbm, table_hbm, out_hbm, idx_v, rows_v, gsem, wsem):
        wid = lax.axis_index("s") * NC + lax.axis_index("c")
        base = wid * BPW
        pltpu.sync_copy(
            idx_hbm.at[wid // WPR, pl.ds((wid % WPR) * BPW, BPW)], idx_v)
        gathers = [None] * NCHUNK
        writes = [None] * NCHUNK

        def start_gather(j):
            return pltpu.async_copy(
                table_hbm.at[idx_v.at[pl.ds(j * CHUNK, CHUNK)]],
                rows_v.at[j % NBUF], gsem)

        for j in range(NBUF - 1):
            gathers[j] = start_gather(j)
        for j in range(NCHUNK):
            gathers[j].wait()
            writes[j] = pltpu.async_copy(
                rows_v.at[j % NBUF], out_hbm.at[pl.ds(base + j * CHUNK, CHUNK)], wsem)
            nxt = j + NBUF - 1
            if nxt < NCHUNK:
                if nxt - NBUF >= 0:
                    writes[nxt - NBUF].wait()
                gathers[nxt] = start_gather(nxt)
        for j in range(NCHUNK - NBUF, NCHUNK):
            if j >= 0 and writes[j] is not None:
                writes[j].wait()

    return gather_kernel


_gather = _make_gather()


def kernel(position_ids, embed_table):
    idx = position_ids
    if idx.dtype != jnp.int32:
        idx = idx.astype(jnp.int32)
    out = _gather(idx, embed_table)
    return out.reshape(position_ids.shape + (D,))

# --- scband reference (transcript-rebuilt; emitter-appended) ---
"""Pipeline reference for scband-fixed-rotary-positional-embedding-29712583754117 (READ-ONLY COPY).

The authoritative reference and input builder live on the scoring server;
editing this copy changes nothing except your own understanding.
"""

import jax, jax.numpy as jnp
import numpy as np

ROTARY_DIM = 128
ROTARY_BASE = 10000
MAX_POSITION = 16384

def _build_table():
    inv_freq = 1.0 / (ROTARY_BASE ** (jnp.arange(0, ROTARY_DIM, 2, dtype=jnp.float32) / ROTARY_DIM))
    t = jnp.arange(MAX_POSITION, dtype=jnp.float32)
    freqs = jnp.einsum('i,j->ij', t, inv_freq)
    sins = jnp.sin(freqs)
    coss = jnp.cos(freqs)
    emb = jnp.concatenate([sins, coss], axis=-1)
    return emb

def setup_inputs(seed: int = 0) -> dict:
    key = jax.random.key(seed)
    position_ids = jax.random.randint(key, (4, 8192), 0, MAX_POSITION, dtype=jnp.int64 if jax.config.jax_enable_x64 else jnp.int32)
    embed_table = _build_table()
    return {"position_ids": position_ids, "embed_table": embed_table}

def reference(position_ids, embed_table):
    # nn.Embedding lookup: gather rows of the fixed sin/cos table
    idx = position_ids.astype(jnp.int32)
    return jnp.take(embed_table, idx, axis=0)

if __name__ == "__main__":
    import jax
    _d = setup_inputs()
    print(jax.jit(kernel)(*tuple(_d.values())))

</pallas_src>

<mosaic_0001>
#map = affine_map<(d0, d1) -> (0, 0)>
module attributes {stable_mosaic.version = 14 : i64} {
  func.func @gather_kernel(%arg0: i32, %arg1: i32, %arg2: memref<4x8192xi32, #tpu.memory_space<hbm>>, %arg3: memref<16384x128xf32, #tpu.memory_space<hbm>>, %arg4: memref<32768x128xf32, #tpu.memory_space<hbm>>, %arg5: memref<1024xi32, #tpu.memory_space<vmem>>, %arg6: memref<3x256x128xf32, #tpu.memory_space<vmem>>, %arg7: memref<!tpu.dma_semaphore, #tpu.memory_space<semaphore_mem>>, %arg8: memref<!tpu.dma_semaphore, #tpu.memory_space<semaphore_mem>>) attributes {dimension_semantics = [#tpu.dimension_semantics<core_parallel>, #tpu.dimension_semantics<subcore_parallel>], iteration_bounds = array<i64: 2, 16>, scalar_prefetch = 0 : i64, scratch_operands = 4 : i64, tpu.core_type = #tpu.core_type<sc_vector_subcore>, window_params = [{transform_indices = #map}, {transform_indices = #map}, {transform_indices = #map}]} {
    %mul3A = arith.constant 2 : i32
    %mul3A_0 = arith.muli %arg1, %mul3A : i32
    %add3A = arith.addi %mul3A_0, %arg0 : i32
    %mul3A_1 = arith.constant 1024 : i32
    %mul3A_2 = arith.muli %add3A, %mul3A_1 : i32
    %jit3A = arith.constant 8 : i32
    %div3A = arith.divsi %add3A, %jit3A : i32
    %sign3A = arith.constant 0 : i32
    %sign3A_3 = arith.cmpi sgt, %add3A, %sign3A : i32
    %sign3A_4 = arith.extui %sign3A_3 : i1 to i32
    %sign3A_5 = arith.constant 0 : i32
    %sign3A_6 = arith.cmpi slt, %add3A, %sign3A_5 : i32
    %sign3A_7 = arith.extui %sign3A_6 : i1 to i32
    %sign3A_8 = arith.subi %sign3A_4, %sign3A_7 : i32
    %sign3A_9 = arith.constant 0 : i32
    %sign3A_10 = arith.cmpi sgt, %jit3A, %sign3A_9 : i32
    %sign3A_11 = arith.extui %sign3A_10 : i1 to i32
    %sign3A_12 = arith.constant 0 : i32
    %sign3A_13 = arith.cmpi slt, %jit3A, %sign3A_12 : i32
    %sign3A_14 = arith.extui %sign3A_13 : i1 to i32
    %sign3A_15 = arith.subi %sign3A_11, %sign3A_14 : i32
    %ne3A = arith.cmpi ne, %sign3A_8, %sign3A_15 : i32
    %rem3A = arith.remsi %add3A, %jit3A : i32
    %ne3A_16 = arith.constant 0 : i32
    %ne3A_17 = arith.cmpi ne, %rem3A, %ne3A_16 : i32
    %and3A = arith.andi %ne3A, %ne3A_17 : i1
    %sub3A = arith.constant 1 : i32
    %sub3A_18 = arith.subi %div3A, %sub3A : i32
    %select_n3A = arith.select %and3A, %sub3A_18, %div3A : i32
    %jit3A_19 = arith.constant 8 : i32
    %eq3A = arith.constant 0 : i32
    %eq3A_20 = arith.cmpi eq, %jit3A_19, %eq3A : i32
    %jit3A_21 = arith.constant 1 : i32
    %select_n3A_22 = arith.select %eq3A_20, %jit3A_21, %jit3A_19 : i32
    %rem3A_23 = arith.remsi %add3A, %select_n3A_22 : i32
    %ne3A_24 = arith.constant 0 : i32
    %ne3A_25 = arith.cmpi ne, %rem3A_23, %ne3A_24 : i32
    %lt3A = arith.constant 0 : i32
    %lt3A_26 = arith.cmpi slt, %rem3A_23, %lt3A : i32
    %lt3A_27 = arith.constant 0 : i32
    %lt3A_28 = arith.cmpi slt, %select_n3A_22, %lt3A_27 : i32
    %ne3A_29 = arith.xori %lt3A_26, %lt3A_28 : i1
    %and3A_30 = arith.andi %ne3A_29, %ne3A_25 : i1
    %add3A_31 = arith.addi %rem3A_23, %select_n3A_22 : i32
    %select_n3A_32 = arith.select %and3A_30, %add3A_31, %rem3A_23 : i32
    %mul3A_33 = arith.constant 1024 : i32
    %mul3A_34 = arith.muli %select_n3A_32, %mul3A_33 : i32
    "tpu.region"() ({
      %run_scoped3A = tpu.sem_alloc : memref<!tpu.dma_semaphore, #tpu.memory_space<semaphore_mem>>
      %dma_start3A_225 = tpu.memref_slice %arg2[%select_n3A, %mul3A_34] : memref<4x8192xi32, #tpu.memory_space<hbm>> -> memref<1x1024xi32, #tpu.memory_space<hbm>>
      %dma_start3A_226 = tpu.memref_squeeze %dma_start3A_225 : memref<1x1024xi32, #tpu.memory_space<hbm>> -> memref<1024xi32, #tpu.memory_space<hbm>>
      %dma_start3A_227 = tpu.memref_slice %arg2[%select_n3A, %mul3A_34] : memref<4x8192xi32, #tpu.memory_space<hbm>> -> memref<1x1024xi32, #tpu.memory_space<hbm>>
      %dma_start3A_228 = tpu.memref_squeeze %dma_start3A_227 : memref<1x1024xi32, #tpu.memory_space<hbm>> -> memref<1024xi32, #tpu.memory_space<hbm>>
      tpu.enqueue_dma source(%dma_start3A_228 : memref<1024xi32, #tpu.memory_space<hbm>>) target(%arg5 : memref<1024xi32, #tpu.memory_space<vmem>>) target_semaphore(%run_scoped3A : memref<!tpu.dma_semaphore, #tpu.memory_space<semaphore_mem>>)
      %dma_wait3A_229 = tpu.memref_slice %arg2[%select_n3A, %mul3A_34] : memref<4x8192xi32, #tpu.memory_space<hbm>> -> memref<1x1024xi32, #tpu.memory_space<hbm>>
      %dma_wait3A_230 = tpu.memref_squeeze %dma_wait3A_229 : memref<1x1024xi32, #tpu.memory_space<hbm>> -> memref<1024xi32, #tpu.memory_space<hbm>>
      %dma_wait3A_231 = tpu.memref_slice %arg2[%select_n3A, %mul3A_34] : memref<4x8192xi32, #tpu.memory_space<hbm>> -> memref<1x1024xi32, #tpu.memory_space<hbm>>
      %dma_wait3A_232 = tpu.memref_squeeze %dma_wait3A_231 : memref<1x1024xi32, #tpu.memory_space<hbm>> -> memref<1024xi32, #tpu.memory_space<hbm>>
      tpu.wait_dma2 semaphore(%run_scoped3A : memref<!tpu.dma_semaphore, #tpu.memory_space<semaphore_mem>>) src(%dma_wait3A_232 : memref<1024xi32, #tpu.memory_space<hbm>>) dst(%arg5 : memref<1024xi32, #tpu.memory_space<vmem>>)
      tpu.yield
    }) : () -> ()
    %dma_start3A = arith.constant 0 : i32
    %dma_start3A_35 = arith.constant 0 : i32
    %dma_start3A_36 = arith.constant 0 : i32
    %dma_start3A_37 = tpu.memref_slice %arg6[%dma_start3A, %dma_start3A_35, %dma_start3A_36] : memref<3x256x128xf32, #tpu.memory_space<vmem>> -> memref<1x256x128xf32, #tpu.memory_space<vmem>>
    %dma_start3A_38 = tpu.memref_squeeze %dma_start3A_37 : memref<1x256x128xf32, #tpu.memory_space<vmem>> -> memref<256x128xf32, #tpu.memory_space<vmem>>
    %dma_start3A_39 = arith.constant 0 : i32
    %dma_start3A_40 = tpu.memref_slice %arg5[%dma_start3A_39] : memref<1024xi32, #tpu.memory_space<vmem>> -> memref<256xi32, #tpu.memory_space<vmem>>
    %dma_start3A_41 = arith.constant 0 : i32
    %dma_start3A_42 = arith.constant 0 : i32
    %dma_start3A_43 = tpu.memref_slice %arg3[%dma_start3A_41, %dma_start3A_42] : memref<16384x128xf32, #tpu.memory_space<hbm>> -> memref<16384x128xf32, #tpu.memory_space<hbm>>
    tpu.enqueue_indirect_dma source(%dma_start3A_43 : memref<16384x128xf32, #tpu.memory_space<hbm>>) target(%dma_start3A_38 : memref<256x128xf32, #tpu.memory_space<vmem>>) offsets(%dma_start3A_40 : memref<256xi32, #tpu.memory_space<vmem>>) semaphore(%arg7 : memref<!tpu.dma_semaphore, #tpu.memory_space<semaphore_mem>>)
    %dma_start3A_44 = arith.constant 1 : i32
    %dma_start3A_45 = arith.constant 0 : i32
    %dma_start3A_46 = arith.constant 0 : i32
    %dma_start3A_47 = tpu.memref_slice %arg6[%dma_start3A_44, %dma_start3A_45, %dma_start3A_46] : memref<3x256x128xf32, #tpu.memory_space<vmem>> -> memref<1x256x128xf32, #tpu.memory_space<vmem>>
    %dma_start3A_48 = tpu.memref_squeeze %dma_start3A_47 : memref<1x256x128xf32, #tpu.memory_space<vmem>> -> memref<256x128xf32, #tpu.memory_space<vmem>>
    %dma_start3A_49 = arith.constant 256 : i32
    %dma_start3A_50 = tpu.memref_slice %arg5[%dma_start3A_49] : memref<1024xi32, #tpu.memory_space<vmem>> -> memref<256xi32, #tpu.memory_space<vmem>>
    %dma_start3A_51 = arith.constant 0 : i32
    %dma_start3A_52 = arith.constant 0 : i32
    %dma_start3A_53 = tpu.memref_slice %arg3[%dma_start3A_51, %dma_start3A_52] : memref<16384x128xf32, #tpu.memory_space<hbm>> -> memref<16384x128xf32, #tpu.memory_space<hbm>>
    tpu.enqueue_indirect_dma source(%dma_start3A_53 : memref<16384x128xf32, #tpu.memory_space<hbm>>) target(%dma_start3A_48 : memref<256x128xf32, #tpu.memory_space<vmem>>) offsets(%dma_start3A_50 : memref<256xi32, #tpu.memory_space<vmem>>) semaphore(%arg7 : memref<!tpu.dma_semaphore, #tpu.memory_space<semaphore_mem>>)
    %dma_wait3A = arith.constant 0 : i32
    %dma_wait3A_54 = arith.constant 0 : i32
    %dma_wait3A_55 = arith.constant 0 : i32
    %dma_wait3A_56 = tpu.memref_slice %arg6[%dma_wait3A, %dma_wait3A_54, %dma_wait3A_55] : memref<3x256x128xf32, #tpu.memory_space<vmem>> -> memref<1x256x128xf32, #tpu.memory_space<vmem>>
    %dma_wait3A_57 = tpu.memref_squeeze %dma_wait3A_56 : memref<1x256x128xf32, #tpu.memory_space<vmem>> -> memref<256x128xf32, #tpu.memory_space<vmem>>
    %dma_wait3A_58 = arith.constant 0 : i32
    %dma_wait3A_59 = tpu.memref_slice %arg5[%dma_wait3A_58] : memref<1024xi32, #tpu.memory_space<vmem>> -> memref<256xi32, #tpu.memory_space<vmem>>
    %dma_wait3A_60 = arith.constant 0 : i32
    %dma_wait3A_61 = arith.constant 0 : i32
    %dma_wait3A_62 = tpu.memref_slice %arg3[%dma_wait3A_60, %dma_wait3A_61] : memref<16384x128xf32, #tpu.memory_space<hbm>> -> memref<16384x128xf32, #tpu.memory_space<hbm>>
    tpu.wait_indirect_dma semaphore(%arg7 : memref<!tpu.dma_semaphore, #tpu.memory_space<semaphore_mem>>) src(%dma_wait3A_62 : memref<16384x128xf32, #tpu.memory_space<hbm>>) dst(%dma_wait3A_57 : memref<256x128xf32, #tpu.memory_space<vmem>>)
    %add3A_63 = arith.constant 0 : i32
    %add3A_64 = arith.addi %mul3A_2, %add3A_63 : i32
    %dma_start3A_65 = arith.constant 0 : i32
    %dma_start3A_66 = arith.constant 0 : i32
    %dma_start3A_67 = arith.constant 0 : i32
    %dma_start3A_68 = tpu.memref_slice %arg6[%dma_start3A_65, %dma_start3A_66, %dma_start3A_67] : memref<3x256x128xf32, #tpu.memory_space<vmem>> -> memref<1x256x128xf32, #tpu.memory_space<vmem>>
    %dma_start3A_69 = tpu.memref_squeeze %dma_start3A_68 : memref<1x256x128xf32, #tpu.memory_space<vmem>> -> memref<256x128xf32, #tpu.memory_space<vmem>>
    %dma_start3A_70 = arith.constant 0 : i32
    %dma_start3A_71 = tpu.memref_slice %arg4[%add3A_64, %dma_start3A_70] : memref<32768x128xf32, #tpu.memory_space<hbm>> -> memref<256x128xf32, #tpu.memory_space<hbm>>
    %dma_start3A_72 = arith.constant 0 : i32
    %dma_start3A_73 = tpu.memref_slice %arg4[%add3A_64, %dma_start3A_72] : memref<32768x128xf32, #tpu.memory_space<hbm>> -> memref<256x128xf32, #tpu.memory_space<hbm>>
    %dma_start3A_74 = arith.constant 0 : i32
    %dma_start3A_75 = arith.constant 0 : i32
    %dma_start3A_76 = tpu.memref_slice %arg6[%dma_start3A_65, %dma_start3A_74, %dma_start3A_75] : memref<3x256x128xf32, #tpu.memory_space<vmem>> -> memref<1x256x128xf32, #tpu.memory_space<vmem>>
    %dma_start3A_77 = tpu.memref_squeeze %dma_start3A_76 : memref<1x256x128xf32, #tpu.memory_space<vmem>> -> memref<256x128xf32, #tpu.memory_space<vmem>>
    tpu.enqueue_dma source(%dma_start3A_77 : memref<256x128xf32, #tpu.memory_space<vmem>>) target(%dma_start3A_73 : memref<256x128xf32, #tpu.memory_space<hbm>>) target_semaphore(%arg8 : memref<!tpu.dma_semaphore, #tpu.memory_space<semaphore_mem>>)
    %dma_start3A_78 = arith.constant 2 : i32
    %dma_start3A_79 = arith.constant 0 : i32
    %dma_start3A_80 = arith.constant 0 : i32
    %dma_start3A_81 = tpu.memref_slice %arg6[%dma_start3A_78, %dma_start3A_79, %dma_start3A_80] : memref<3x256x128xf32, #tpu.memory_space<vmem>> -> memref<1x256x128xf32, #tpu.memory_space<vmem>>
    %dma_start3A_82 = tpu.memref_squeeze %dma_start3A_81 : memref<1x256x128xf32, #tpu.memory_space<vmem>> -> memref<256x128xf32, #tpu.memory_space<vmem>>
    %dma_start3A_83 = arith.constant 512 : i32
    %dma_start3A_84 = tpu.memref_slice %arg5[%dma_start3A_83] : memref<1024xi32, #tpu.memory_space<vmem>> -> memref<256xi32, #tpu.memory_space<vmem>>
    %dma_start3A_85 = arith.constant 0 : i32
    %dma_start3A_86 = arith.constant 0 : i32
    %dma_start3A_87 = tpu.memref_slice %arg3[%dma_start3A_85, %dma_start3A_86] : memref<16384x128xf32, #tpu.memory_space<hbm>> -> memref<16384x128xf32, #tpu.memory_space<hbm>>
    tpu.enqueue_indirect_dma source(%dma_start3A_87 : memref<16384x128xf32, #tpu.memory_space<hbm>>) target(%dma_start3A_82 : memref<256x128xf32, #tpu.memory_space<vmem>>) offsets(%dma_start3A_84 : memref<256xi32, #tpu.memory_space<vmem>>) semaphore(%arg7 : memref<!tpu.dma_semaphore, #tpu.memory_space<semaphore_mem>>)
    %dma_wait3A_88 = arith.constant 1 : i32
    %dma_wait3A_89 = arith.constant 0 : i32
    %dma_wait3A_90 = arith.constant 0 : i32
    %dma_wait3A_91 = tpu.memref_slice %arg6[%dma_wait3A_88, %dma_wait3A_89, %dma_wait3A_90] : memref<3x256x128xf32, #tpu.memory_space<vmem>> -> memref<1x256x128xf32, #tpu.memory_space<vmem>>
    %dma_wait3A_92 = tpu.memref_squeeze %dma_wait3A_91 : memref<1x256x128xf32, #tpu.memory_space<vmem>> -> memref<256x128xf32, #tpu.memory_space<vmem>>
    %dma_wait3A_93 = arith.constant 256 : i32
    %dma_wait3A_94 = tpu.memref_slice %arg5[%dma_wait3A_93] : memref<1024xi32, #tpu.memory_space<vmem>> -> memref<256xi32, #tpu.memory_space<vmem>>
    %dma_wait3A_95 = arith.constant 0 : i32
    %dma_wait3A_96 = arith.constant 0 : i32
    %dma_wait3A_97 = tpu.memref_slice %arg3[%dma_wait3A_95, %dma_wait3A_96] : memref<16384x128xf32, #tpu.memory_space<hbm>> -> memref<16384x128xf32, #tpu.memory_space<hbm>>
    tpu.wait_indirect_dma semaphore(%arg7 : memref<!tpu.dma_semaphore, #tpu.memory_space<semaphore_mem>>) src(%dma_wait3A_97 : memref<16384x128xf32, #tpu.memory_space<hbm>>) dst(%dma_wait3A_92 : memref<256x128xf32, #tpu.memory_space<vmem>>)
    %add3A_98 = arith.constant 256 : i32
    %add3A_99 = arith.addi %mul3A_2, %add3A_98 : i32
    %dma_start3A_100 = arith.constant 1 : i32
    %dma_start3A_101 = arith.constant 0 : i32
    %dma_start3A_102 = arith.constant 0 : i32
    %dma_start3A_103 = tpu.memref_slice %arg6[%dma_start3A_100, %dma_start3A_101, %dma_start3A_102] : memref<3x256x128xf32, #tpu.memory_space<vmem>> -> memref<1x256x128xf32, #tpu.memory_space<vmem>>
    %dma_start3A_104 = tpu.memref_squeeze %dma_start3A_103 : memref<1x256x128xf32, #tpu.memory_space<vmem>> -> memref<256x128xf32, #tpu.memory_space<vmem>>
    %dma_start3A_105 = arith.constant 0 : i32
    %dma_start3A_106 = tpu.memref_slice %arg4[%add3A_99, %dma_start3A_105] : memref<32768x128xf32, #tpu.memory_space<hbm>> -> memref<256x128xf32, #tpu.memory_space<hbm>>
    %dma_start3A_107 = arith.constant 0 : i32
    %dma_start3A_108 = tpu.memref_slice %arg4[%add3A_99, %dma_start3A_107] : memref<32768x128xf32, #tpu.memory_space<hbm>> -> memref<256x128xf32, #tpu.memory_space<hbm>>
    %dma_start3A_109 = arith.constant 0 : i32
    %dma_start3A_110 = arith.constant 0 : i32
    %dma_start3A_111 = tpu.memref_slice %arg6[%dma_start3A_100, %dma_start3A_109, %dma_start3A_110] : memref<3x256x128xf32, #tpu.memory_space<vmem>> -> memref<1x256x128xf32, #tpu.memory_space<vmem>>
    %dma_start3A_112 = tpu.memref_squeeze %dma_start3A_111 : memref<1x256x128xf32, #tpu.memory_space<vmem>> -> memref<256x128xf32, #tpu.memory_space<vmem>>
    tpu.enqueue_dma source(%dma_start3A_112 : memref<256x128xf32, #tpu.memory_space<vmem>>) target(%dma_start3A_108 : memref<256x128xf32, #tpu.memory_space<hbm>>) target_semaphore(%arg8 : memref<!tpu.dma_semaphore, #tpu.memory_space<semaphore_mem>>)
    %dma_wait3A_113 = arith.constant 0 : i32
    %dma_wait3A_114 = arith.constant 0 : i32
    %dma_wait3A_115 = arith.constant 0 : i32
    %dma_wait3A_116 = tpu.memref_slice %arg6[%dma_wait3A_113, %dma_wait3A_114, %dma_wait3A_115] : memref<3x256x128xf32, #tpu.memory_space<vmem>> -> memref<1x256x128xf32, #tpu.memory_space<vmem>>
    %dma_wait3A_117 = tpu.memref_squeeze %dma_wait3A_116 : memref<1x256x128xf32, #tpu.memory_space<vmem>> -> memref<256x128xf32, #tpu.memory_space<vmem>>
    %dma_wait3A_118 = arith.constant 0 : i32
    %dma_wait3A_119 = tpu.memref_slice %arg4[%add3A_64, %dma_wait3A_118] : memref<32768x128xf32, #tpu.memory_space<hbm>> -> memref<256x128xf32, #tpu.memory_space<hbm>>
    %dma_wait3A_120 = arith.constant 0 : i32
    %dma_wait3A_121 = tpu.memref_slice %arg4[%add3A_64, %dma_wait3A_120] : memref<32768x128xf32, #tpu.memory_space<hbm>> -> memref<256x128xf32, #tpu.memory_space<hbm>>
    %dma_wait3A_122 = arith.constant 0 : i32
    %dma_wait3A_123 = arith.constant 0 : i32
    %dma_wait3A_124 = tpu.memref_slice %arg6[%dma_wait3A_113, %dma_wait3A_122, %dma_wait3A_123] : memref<3x256x128xf32, #tpu.memory_space<vmem>> -> memref<1x256x128xf32, #tpu.memory_space<vmem>>
    %dma_wait3A_125 = tpu.memref_squeeze %dma_wait3A_124 : memref<1x256x128xf32, #tpu.memory_space<vmem>> -> memref<256x128xf32, #tpu.memory_space<vmem>>
    tpu.wait_dma2 semaphore(%arg8 : memref<!tpu.dma_semaphore, #tpu.memory_space<semaphore_mem>>) src(%dma_wait3A_125 : memref<256x128xf32, #tpu.memory_space<vmem>>) dst(%dma_wait3A_121 : memref<256x128xf32, #tpu.memory_space<hbm>>)
    %dma_start3A_126 = arith.constant 0 : i32
    %dma_start3A_127 = arith.constant 0 : i32
    %dma_start3A_128 = arith.constant 0 : i32
    %dma_start3A_129 = tpu.memref_slice %arg6[%dma_start3A_126, %dma_start3A_127, %dma_start3A_128] : memref<3x256x128xf32, #tpu.memory_space<vmem>> -> memref<1x256x128xf32, #tpu.memory_space<vmem>>
    %dma_start3A_130 = tpu.memref_squeeze %dma_start3A_129 : memref<1x256x128xf32, #tpu.memory_space<vmem>> -> memref<256x128xf32, #tpu.memory_space<vmem>>
    %dma_start3A_131 = arith.constant 768 : i32
    %dma_start3A_132 = tpu.memref_slice %arg5[%dma_start3A_131] : memref<1024xi32, #tpu.memory_space<vmem>> -> memref<256xi32, #tpu.memory_space<vmem>>
    %dma_start3A_133 = arith.constant 0 : i32
    %dma_start3A_134 = arith.constant 0 : i32
    %dma_start3A_135 = tpu.memref_slice %arg3[%dma_start3A_133, %dma_start3A_134] : memref<16384x128xf32, #tpu.memory_space<hbm>> -> memref<16384x128xf32, #tpu.memory_space<hbm>>
    tpu.enqueue_indirect_dma source(%dma_start3A_135 : memref<16384x128xf32, #tpu.memory_space<hbm>>) target(%dma_start3A_130 : memref<256x128xf32, #tpu.memory_space<vmem>>) offsets(%dma_start3A_132 : memref<256xi32, #tpu.memory_space<vmem>>) semaphore(%arg7 : memref<!tpu.dma_semaphore, #tpu.memory_space<semaphore_mem>>)
    %dma_wait3A_136 = arith.constant 2 : i32
    %dma_wait3A_137 = arith.constant 0 : i32
    %dma_wait3A_138 = arith.constant 0 : i32
    %dma_wait3A_139 = tpu.memref_slice %arg6[%dma_wait3A_136, %dma_wait3A_137, %dma_wait3A_138] : memref<3x256x128xf32, #tpu.memory_space<vmem>> -> memref<1x256x128xf32, #tpu.memory_space<vmem>>
    %dma_wait3A_140 = tpu.memref_squeeze %dma_wait3A_139 : memref<1x256x128xf32, #tpu.memory_space<vmem>> -> memref<256x128xf32, #tpu.memory_space<vmem>>
    %dma_wait3A_141 = arith.constant 512 : i32
    %dma_wait3A_142 = tpu.memref_slice %arg5[%dma_wait3A_141] : memref<1024xi32, #tpu.memory_space<vmem>> -> memref<256xi32, #tpu.memory_space<vmem>>
    %dma_wait3A_143 = arith.constant 0 : i32
    %dma_wait3A_144 = arith.constant 0 : i32
    %dma_wait3A_145 = tpu.memref_slice %arg3[%dma_wait3A_143, %dma_wait3A_144] : memref<16384x128xf32, #tpu.memory_space<hbm>> -> memref<16384x128xf32, #tpu.memory_space<hbm>>
    tpu.wait_indirect_dma semaphore(%arg7 : memref<!tpu.dma_semaphore, #tpu.memory_space<semaphore_mem>>) src(%dma_wait3A_145 : memref<16384x128xf32, #tpu.memory_space<hbm>>) dst(%dma_wait3A_140 : memref<256x128xf32, #tpu.memory_space<vmem>>)
    %add3A_146 = arith.constant 512 : i32
    %add3A_147 = arith.addi %mul3A_2, %add3A_146 : i32
    %dma_start3A_148 = arith.constant 2 : i32
    %dma_start3A_149 = arith.constant 0 : i32
    %dma_start3A_150 = arith.constant 0 : i32
    %dma_start3A_151 = tpu.memref_slice %arg6[%dma_start3A_148, %dma_start3A_149, %dma_start3A_150] : memref<3x256x128xf32, #tpu.memory_space<vmem>> -> memref<1x256x128xf32, #tpu.memory_space<vmem>>
    %dma_start3A_152 = tpu.memref_squeeze %dma_start3A_151 : memref<1x256x128xf32, #tpu.memory_space<vmem>> -> memref<256x128xf32, #tpu.memory_space<vmem>>
    %dma_start3A_153 = arith.constant 0 : i32
    %dma_start3A_154 = tpu.memref_slice %arg4[%add3A_147, %dma_start3A_153] : memref<32768x128xf32, #tpu.memory_space<hbm>> -> memref<256x128xf32, #tpu.memory_space<hbm>>
    %dma_start3A_155 = arith.constant 0 : i32
    %dma_start3A_156 = tpu.memref_slice %arg4[%add3A_147, %dma_start3A_155] : memref<32768x128xf32, #tpu.memory_space<hbm>> -> memref<256x128xf32, #tpu.memory_space<hbm>>
    %dma_start3A_157 = arith.constant 0 : i32
    %dma_start3A_158 = arith.constant 0 : i32
    %dma_start3A_159 = tpu.memref_slice %arg6[%dma_start3A_148, %dma_start3A_157, %dma_start3A_158] : memref<3x256x128xf32, #tpu.memory_space<vmem>> -> memref<1x256x128xf32, #tpu.memory_space<vmem>>
    %dma_start3A_160 = tpu.memref_squeeze %dma_start3A_159 : memref<1x256x128xf32, #tpu.memory_space<vmem>> -> memref<256x128xf32, #tpu.memory_space<vmem>>
    tpu.enqueue_dma source(%dma_start3A_160 : memref<256x128xf32, #tpu.memory_space<vmem>>) target(%dma_start3A_156 : memref<256x128xf32, #tpu.memory_space<hbm>>) target_semaphore(%arg8 : memref<!tpu.dma_semaphore, #tpu.memory_space<semaphore_mem>>)
    %dma_wait3A_161 = arith.constant 0 : i32
    %dma_wait3A_162 = arith.constant 0 : i32
    %dma_wait3A_163 = arith.constant 0 : i32
    %dma_wait3A_164 = tpu.memref_slice %arg6[%dma_wait3A_161, %dma_wait3A_162, %dma_wait3A_163] : memref<3x256x128xf32, #tpu.memory_space<vmem>> -> memref<1x256x128xf32, #tpu.memory_space<vmem>>
    %dma_wait3A_165 = tpu.memref_squeeze %dma_wait3A_164 : memref<1x256x128xf32, #tpu.memory_space<vmem>> -> memref<256x128xf32, #tpu.memory_space<vmem>>
    %dma_wait3A_166 = arith.constant 768 : i32
    %dma_wait3A_167 = tpu.memref_slice %arg5[%dma_wait3A_166] : memref<1024xi32, #tpu.memory_space<vmem>> -> memref<256xi32, #tpu.memory_space<vmem>>
    %dma_wait3A_168 = arith.constant 0 : i32
    %dma_wait3A_169 = arith.constant 0 : i32
    %dma_wait3A_170 = tpu.memref_slice %arg3[%dma_wait3A_168, %dma_wait3A_169] : memref<16384x128xf32, #tpu.memory_space<hbm>> -> memref<16384x128xf32, #tpu.memory_space<hbm>>
    tpu.wait_indirect_dma semaphore(%arg7 : memref<!tpu.dma_semaphore, #tpu.memory_space<semaphore_mem>>) src(%dma_wait3A_170 : memref<16384x128xf32, #tpu.memory_space<hbm>>) dst(%dma_wait3A_165 : memref<256x128xf32, #tpu.memory_space<vmem>>)
    %add3A_171 = arith.constant 768 : i32
    %add3A_172 = arith.addi %mul3A_2, %add3A_171 : i32
    %dma_start3A_173 = arith.constant 0 : i32
    %dma_start3A_174 = arith.constant 0 : i32
    %dma_start3A_175 = arith.constant 0 : i32
    %dma_start3A_176 = tpu.memref_slice %arg6[%dma_start3A_173, %dma_start3A_174, %dma_start3A_175] : memref<3x256x128xf32, #tpu.memory_space<vmem>> -> memref<1x256x128xf32, #tpu.memory_space<vmem>>
    %dma_start3A_177 = tpu.memref_squeeze %dma_start3A_176 : memref<1x256x128xf32, #tpu.memory_space<vmem>> -> memref<256x128xf32, #tpu.memory_space<vmem>>
    %dma_start3A_178 = arith.constant 0 : i32
    %dma_start3A_179 = tpu.memref_slice %arg4[%add3A_172, %dma_start3A_178] : memref<32768x128xf32, #tpu.memory_space<hbm>> -> memref<256x128xf32, #tpu.memory_space<hbm>>
    %dma_start3A_180 = arith.constant 0 : i32
    %dma_start3A_181 = tpu.memref_slice %arg4[%add3A_172, %dma_start3A_180] : memref<32768x128xf32, #tpu.memory_space<hbm>> -> memref<256x128xf32, #tpu.memory_space<hbm>>
    %dma_start3A_182 = arith.constant 0 : i32
    %dma_start3A_183 = arith.constant 0 : i32
    %dma_start3A_184 = tpu.memref_slice %arg6[%dma_start3A_173, %dma_start3A_182, %dma_start3A_183] : memref<3x256x128xf32, #tpu.memory_space<vmem>> -> memref<1x256x128xf32, #tpu.memory_space<vmem>>
    %dma_start3A_185 = tpu.memref_squeeze %dma_start3A_184 : memref<1x256x128xf32, #tpu.memory_space<vmem>> -> memref<256x128xf32, #tpu.memory_space<vmem>>
    tpu.enqueue_dma source(%dma_start3A_185 : memref<256x128xf32, #tpu.memory_space<vmem>>) target(%dma_start3A_181 : memref<256x128xf32, #tpu.memory_space<hbm>>) target_semaphore(%arg8 : memref<!tpu.dma_semaphore, #tpu.memory_space<semaphore_mem>>)
    %dma_wait3A_186 = arith.constant 1 : i32
    %dma_wait3A_187 = arith.constant 0 : i32
    %dma_wait3A_188 = arith.constant 0 : i32
    %dma_wait3A_189 = tpu.memref_slice %arg6[%dma_wait3A_186, %dma_wait3A_187, %dma_wait3A_188] : memref<3x256x128xf32, #tpu.memory_space<vmem>> -> memref<1x256x128xf32, #tpu.memory_space<vmem>>
    %dma_wait3A_190 = tpu.memref_squeeze %dma_wait3A_189 : memref<1x256x128xf32, #tpu.memory_space<vmem>> -> memref<256x128xf32, #tpu.memory_space<vmem>>
    %dma_wait3A_191 = arith.constant 0 : i32
    %dma_wait3A_192 = tpu.memref_slice %arg4[%add3A_99, %dma_wait3A_191] : memref<32768x128xf32, #tpu.memory_space<hbm>> -> memref<256x128xf32, #tpu.memory_space<hbm>>
    %dma_wait3A_193 = arith.constant 0 : i32
    %dma_wait3A_194 = tpu.memref_slice %arg4[%add3A_99, %dma_wait3A_193] : memref<32768x128xf32, #tpu.memory_space<hbm>> -> memref<256x128xf32, #tpu.memory_space<hbm>>
    %dma_wait3A_195 = arith.constant 0 : i32
    %dma_wait3A_196 = arith.constant 0 : i32
    %dma_wait3A_197 = tpu.memref_slice %arg6[%dma_wait3A_186, %dma_wait3A_195, %dma_wait3A_196] : memref<3x256x128xf32, #tpu.memory_space<vmem>> -> memref<1x256x128xf32, #tpu.memory_space<vmem>>
    %dma_wait3A_198 = tpu.memref_squeeze %dma_wait3A_197 : memref<1x256x128xf32, #tpu.memory_space<vmem>> -> memref<256x128xf32, #tpu.memory_space<vmem>>
    tpu.wait_dma2 semaphore(%arg8 : memref<!tpu.dma_semaphore, #tpu.memory_space<semaphore_mem>>) src(%dma_wait3A_198 : memref<256x128xf32, #tpu.memory_space<vmem>>) dst(%dma_wait3A_194 : memref<256x128xf32, #tpu.memory_space<hbm>>)
    %dma_wait3A_199 = arith.constant 2 : i32
    %dma_wait3A_200 = arith.constant 0 : i32
    %dma_wait3A_201 = arith.constant 0 : i32
    %dma_wait3A_202 = tpu.memref_slice %arg6[%dma_wait3A_199, %dma_wait3A_200, %dma_wait3A_201] : memref<3x256x128xf32, #tpu.memory_space<vmem>> -> memref<1x256x128xf32, #tpu.memory_space<vmem>>
    %dma_wait3A_203 = tpu.memref_squeeze %dma_wait3A_202 : memref<1x256x128xf32, #tpu.memory_space<vmem>> -> memref<256x128xf32, #tpu.memory_space<vmem>>
    %dma_wait3A_204 = arith.constant 0 : i32
    %dma_wait3A_205 = tpu.memref_slice %arg4[%add3A_147, %dma_wait3A_204] : memref<32768x128xf32, #tpu.memory_space<hbm>> -> memref<256x128xf32, #tpu.memory_space<hbm>>
    %dma_wait3A_206 = arith.constant 0 : i32
    %dma_wait3A_207 = tpu.memref_slice %arg4[%add3A_147, %dma_wait3A_206] : memref<32768x128xf32, #tpu.memory_space<hbm>> -> memref<256x128xf32, #tpu.memory_space<hbm>>
    %dma_wait3A_208 = arith.constant 0 : i32
    %dma_wait3A_209 = arith.constant 0 : i32
    %dma_wait3A_210 = tpu.memref_slice %arg6[%dma_wait3A_199, %dma_wait3A_208, %dma_wait3A_209] : memref<3x256x128xf32, #tpu.memory_space<vmem>> -> memref<1x256x128xf32, #tpu.memory_space<vmem>>
    %dma_wait3A_211 = tpu.memref_squeeze %dma_wait3A_210 : memref<1x256x128xf32, #tpu.memory_space<vmem>> -> memref<256x128xf32, #tpu.memory_space<vmem>>
    tpu.wait_dma2 semaphore(%arg8 : memref<!tpu.dma_semaphore, #tpu.memory_space<semaphore_mem>>) src(%dma_wait3A_211 : memref<256x128xf32, #tpu.memory_space<vmem>>) dst(%dma_wait3A_207 : memref<256x128xf32, #tpu.memory_space<hbm>>)
    %dma_wait3A_212 = arith.constant 0 : i32
    %dma_wait3A_213 = arith.constant 0 : i32
    %dma_wait3A_214 = arith.constant 0 : i32
    %dma_wait3A_215 = tpu.memref_slice %arg6[%dma_wait3A_212, %dma_wait3A_213, %dma_wait3A_214] : memref<3x256x128xf32, #tpu.memory_space<vmem>> -> memref<1x256x128xf32, #tpu.memory_space<vmem>>
    %dma_wait3A_216 = tpu.memref_squeeze %dma_wait3A_215 : memref<1x256x128xf32, #tpu.memory_space<vmem>> -> memref<256x128xf32, #tpu.memory_space<vmem>>
    %dma_wait3A_217 = arith.constant 0 : i32
    %dma_wait3A_218 = tpu.memref_slice %arg4[%add3A_172, %dma_wait3A_217] : memref<32768x128xf32, #tpu.memory_space<hbm>> -> memref<256x128xf32, #tpu.memory_space<hbm>>
    %dma_wait3A_219 = arith.constant 0 : i32
    %dma_wait3A_220 = tpu.memref_slice %arg4[%add3A_172, %dma_wait3A_219] : memref<32768x128xf32, #tpu.memory_space<hbm>> -> memref<256x128xf32, #tpu.memory_space<hbm>>
    %dma_wait3A_221 = arith.constant 0 : i32
    %dma_wait3A_222 = arith.constant 0 : i32
    %dma_wait3A_223 = tpu.memref_slice %arg6[%dma_wait3A_212, %dma_wait3A_221, %dma_wait3A_222] : memref<3x256x128xf32, #tpu.memory_space<vmem>> -> memref<1x256x128xf32, #tpu.memory_space<vmem>>
    %dma_wait3A_224 = tpu.memref_squeeze %dma_wait3A_223 : memref<1x256x128xf32, #tpu.memory_space<vmem>> -> memref<256x128xf32, #tpu.memory_space<vmem>>
    tpu.wait_dma2 semaphore(%arg8 : memref<!tpu.dma_semaphore, #tpu.memory_space<semaphore_mem>>) src(%dma_wait3A_224 : memref<256x128xf32, #tpu.memory_space<vmem>>) dst(%dma_wait3A_220 : memref<256x128xf32, #tpu.memory_space<hbm>>)
    return
  }
}

</mosaic_0001>

<sc_bundles>
// kernel: kernel.3.cloned.1.call-start
scs
__scs_entry_jumppad:
0x0: {  	(pc) =	sbr.rel $0x88, $3  }
0x1: {  	(tag) =	ssettag $0x0;
	lr =	simm.s32 $0x1  }
0x2: {  	[smem:$0x3F9F] =	sst lr;
	_ =	strace $0xD0000000  }
0x3: {  	_ = 	snop  }
0x4: {  	_ = 	snop  }
0x5: {  	_ = 	snop  }
0x6: {  	_ = 	snop  }
0x7: {  	_ = 	snop  }
__scs_overlays_trampoline_lowered:
0x8: {  	[smem:$0x3FAE] =	sst s0  }
0x9: {  	[smem:$0x3FAF] =	sst s1  }
0xa: {  	[smem:$0x3FB0] =	sst s2  }
0xb: {  	[smem:$0x3FB1] =	sst s3  }
0xc: {  	[smem:$0x3FB2] =	sst s4  }
0xd: {  	[smem:$0x3FB3] =	sst s5  }
0xe: {  	[smem:$0x3FB4] =	sst s6  }
0xf: {  	[smem:$0x3FB5] =	sst s7  }
0x10: {  	[smem:$0x3FB6] =	sst s8  }
0x11: {  	[smem:$0x3FB7] =	sst s9;
	s0 =	simm.s32 @!p0 $0x0  }
0x12: {  	s1 =	sld [smem:$0x3F9D];
	s0 =	simm.s32 @p0 $0x1  }
0x13: {  	[smem:$0x3FB8] =	sst s0;
	s0 =	simm.s32 @!p1 $0x0  }
0x14: {  	s2 =	sld [smem:$0x3F9C];
	s0 =	simm.s32 @p1 $0x1  }
0x15: {  	[smem:$0x3FB9] =	sst s0;
	s0 =	simm.s32 @!p2 $0x0  }
0x16: {  	s3 =	sld [smem:$0x3FDB];
	s0 =	simm.s32 @p2 $0x1  }
0x17: {  	s4 =	simm.s32 $0x1BF5;
	[smem:$0x3FBB] =	sst s0  }
0x18: {  	s0 =	sld [smem:$0x3F9E];
	_ =	swait.ge [sflag:s4], $0x0  }
0x19: {  	s7 =	sld [smem:$0x3F9F]  }
0x1a: {  	s8 =	sadd.s32 $0xFFFFE003, lr  }
0x1b: {  	s9 =	sadd.s32 $0xFFFFFEF7, lr;
	s5 =	simm.s32 $0xFFFFFFFF;
	p2 =	slt.u32 s8, $0xFFFFF086  }
0x1c: {  	p1 =	slt.u32 s9, $0xF7A;
	s5 =	simm.s32 @!p2 $0x0  }
0x1d: {  	s5 =	simm.s32 @p1 $0x1;
	p0 =	seq.s32 s7, s2  }
0x1e: {  	s7 =	smul.u32 @!p0 $0xF7A, s2;
	p2 =	seq.s32 @!p0 s5, $0x0  }
0x1f: {  	s9 =	smul.u32 $0xF7A, s1;
	s8 =	simm.s32 @!p0 $0x1BF5;
	p2 =	por !p2, p0  }
0x20: {  	[sflag:s8] =	ssyncset.s32 @!p0 $0xFFFFF086;
	s6 =	sadd.s32 @!p0 s3, s7;
	s7 =	simm.s32 @!p0 $0x108  }
0x21: {  	s3 =	sadd.s32 s3, s9;
	s6 =	sadd.s32 @!p0 $0x88, s6;
	s7 =	simm.s32 @p2 $0x1082  }
0x22: {  	[simem:s7], [sflag:s8] =	dma.local @!p0 [hbm:s6], $0xF7A  }
0x23: {  	s9 =	sor.u32 $0xD0000000, s2;
	s6 =	simm.s32 $0x108;
	_ =	swait.ge @!p0 [sflag:s8], $0x0  }
0x24: {  	s3 =	sadd.s32 $0x88, s3;
	s6 =	simm.s32 @!p1 $0x1082;
	[sflag:s4] =	ssyncset.s32 $0xFFFFF086  }
0x25: {  	[simem:s6], [sflag:s4] =	dma.local [hbm:s3], $0xF7A  }
0x26: {  	[smem:$0x3F9F] =	sst s1;
	(tag) =	ssettag s2;
	_ =	strace s9  }
0x27: {  	s1 =	sld [smem:$0x3FAF]  }
0x28: {  	s2 =	sld [smem:$0x3FB0]  }
0x29: {  	s4 =	sld [smem:$0x3FB2]  }
0x2a: {  	p0 =	seq.s32 s5, $0x0;
	s5 =	sld [smem:$0x3FB3]  }
0x2b: {  	s6 =	sld [smem:$0x3FB4]  }
0x2c: {  	s7 =	sld [smem:$0x3FB5]  }
0x2d: {  	s3 =	simm.s32 $0x108;
	s8 =	sld [smem:$0x3FB6]  }
0x2e: {  	s3 =	simm.s32 @!p0 $0x1082;
	s9 =	sld [smem:$0x3FB7]  }
0x2f: {  	lr =	sadd.s32 s0, s3;
	s0 =	sld [smem:$0x3FAE]  }
0x30: {  	s3 =	sld [smem:$0x3FB1]  }
0x31: {  	[smem:$0x3FBA] =	sst s10  }
0x32: {  	s10 =	sld [smem:$0x3FB8];
	_ =	sdelay $0x3  }
0x33: {  	p0 =	seq.s32 s10, $0x1;
	s10 =	sld [smem:$0x3FBA];
	_ =	sdelay $0x3  }
0x34: {  	[smem:$0x3FBA] =	sst s10  }
0x35: {  	s10 =	sld [smem:$0x3FB9];
	_ =	sdelay $0x3  }
0x36: {  	p1 =	seq.s32 s10, $0x1;
	s10 =	sld [smem:$0x3FBA];
	_ =	sdelay $0x3  }
0x37: {  	[smem:$0x3FBA] =	sst s10  }
0x38: {  	s10 =	sld [smem:$0x3FBB]  }
0x39: {  	_ = 	snop;
	(pc) =	sbr.ind lr, $3  }
0x3a: {  	_ = 	snop  }
0x3b: {  	_ = 	snop  }
0x3c: {  	p2 =	seq.s32 s10, $0x1;
	s10 =	sld [smem:$0x3FBA]  }
0x3d: {  	_ =	shalt  }
0x3e: {  	_ =	shalt  }
0x3f: {  	_ =	shalt  }
0x40: {  	_ =	shalt  }
0x41: {  	_ =	shalt  }
0x42: {  	_ =	shalt  }
0x43: {  	_ =	shalt  }
0x44: {  	_ =	shalt  }
0x45: {  	_ =	shalt  }
0x46: {  	_ =	shalt  }
0x47: {  	_ =	shalt  }
0x48: {  	_ =	shalt  }
0x49: {  	_ =	shalt  }
0x4a: {  	_ =	shalt  }
0x4b: {  	_ =	shalt  }
0x4c: {  	_ =	shalt  }
0x4d: {  	_ =	shalt  }
0x4e: {  	_ =	shalt  }
0x4f: {  	_ =	shalt  }
0x50: {  	_ =	shalt  }
0x51: {  	_ =	shalt  }
0x52: {  	_ =	shalt  }
0x53: {  	_ =	shalt  }
0x54: {  	_ =	shalt  }
0x55: {  	_ =	shalt  }
0x56: {  	_ =	shalt  }
0x57: {  	_ =	shalt  }
0x58: {  	_ =	shalt  }
0x59: {  	_ =	shalt  }
0x5a: {  	_ =	shalt  }
0x5b: {  	_ =	shalt  }
0x5c: {  	_ =	shalt  }
0x5d: {  	_ =	shalt  }
0x5e: {  	_ =	shalt  }
0x5f: {  	_ =	shalt  }
0x60: {  	_ =	shalt  }
0x61: {  	_ =	shalt  }
0x62: {  	_ =	shalt  }
0x63: {  	_ =	shalt  }
0x64: {  	_ =	shalt  }
0x65: {  	_ =	shalt  }
0x66: {  	_ =	shalt  }
0x67: {  	_ =	shalt  }
0x68: {  	_ =	shalt  }
0x69: {  	_ =	shalt  }
0x6a: {  	_ =	shalt  }
0x6b: {  	_ =	shalt  }
0x6c: {  	_ =	shalt  }
0x6d: {  	_ =	shalt  }
0x6e: {  	_ =	shalt  }
0x6f: {  	_ =	shalt  }
0x70: {  	_ =	shalt  }
0x71: {  	_ =	shalt  }
0x72: {  	_ =	shalt  }
0x73: {  	_ =	shalt  }
0x74: {  	_ =	shalt  }
0x75: {  	_ =	shalt  }
0x76: {  	_ =	shalt  }
0x77: {  	_ =	shalt  }
0x78: {  	_ =	shalt  }
0x79: {  	_ =	shalt  }
0x7a: {  	_ =	shalt  }
0x7b: {  	_ =	shalt  }
0x7c: {  	_ =	shalt  }
0x7d: {  	_ =	shalt  }
0x7e: {  	_ =	shalt  }
0x7f: {  	_ =	shalt  }
0x80: {  	_ =	shalt  }
0x81: {  	_ =	shalt  }
0x82: {  	_ =	shalt  }
0x83: {  	_ =	shalt  }
0x84: {  	_ =	shalt  }
0x85: {  	_ =	shalt  }
0x86: {  	_ =	shalt  }
0x87: {  	_ =	shalt  }
.Lfunc_end0:
.L_simem_size_0:
called_computation_lowered:
.L_overlay_start_0:
0x88: {  	s2 =	sld [smem:$0x3FD9]  }
0x89: {  	s3 =	sld [smem:$0x3FFE];
	_ =	sdelay $0x1  }
0x8a: {  	s1 =	srdreg.scid  }
0x8b: {  	s0 =	sand.u32 $0x1, s1  }
0x8c: {  	s18 =	sshll.u32 s0, $0xA;
	s2 =	sadd.s32 s3, s2  }
0x8d: {  	s2 =	sadd.s32 s2, s18  }
0x8e: {  	[smem:$0x3FC6] =	sst s2  }
0x8f: {  	_ = 	snop  }
0x90: {  	s2 =	sld [smem:$0x3FC9]  }
0x91: {  	s19 =	sld [smem:$0x3FC8]  }
0x92: {  	s4 =	sld [smem:$0x3FD0];
	(tm) =	ssettm $0x1  }
0x93: {  	s5 =	sld [smem:$0x3FFB];
	_ =	sdelay $0x3  }
0x94: {  	_ =	strace s5  }
0x95: {  	s5 =	sld [smem:$0x3FFC];
	_ =	sdelay $0x3  }
0x96: {  	_ =	strace s5  }
0x97: {  	s5 =	sld [smem:$0x3FFD];
	_ =	sdelay $0x3  }
0x98: {  	_ =	strace s5  }
0x99: {  	_ =	strace $0x8FFFFFFF  }
0x9a: {  	s20 =	sld [smem:$0x3FDB];
	_ =	sdelay $0x1  }
0x9b: {  	s6 =	simm.s32 $_scs_section_size  }
0x9c: {  	s7 =	simm.s32 $_size__tile_overlayer_lowered;
	s8 =	simm.s32 $_tile_overlayer_lowered  }
0x9d: {  	s23 =	simm.s32 $0x1BFF;
	s22 =	sshll.u32 s8, $0x1;
	s5 =	sadd.s32 s6, s20  }
0x9e: {  	s9 =	simm.s32 $0x0;
	s21 =	sshll.u32 s7, $0x1;
	s7 =	sadd.s32 s22, s5  }
0x9f: {  	[timem:s9], [sflag:s23] =	dma.local [hbm:s7], s21  }
0xa0: {  	_ =	swait.ge [sflag:s23], s21  }
0xa1: {  	s6 =	ssub.s32 $0x0, s21;
	[sflag:s23] =	ssyncset.done $0x0  }
0xa2: {  	[sflag:s23] =	ssyncadd.s32 s6;
	_ =	sdelay $0x1  }
0xa3: {  	s24 =	simm.s32 $0x1B8B  }
0xa4: {  	_ =	swait.ge [sflag:s24], $0x1  }
0xa5: {  	[sflag:s24] =	ssyncset.done $0x0  }
0xa6: {  	s25 =	simm.s32 $0x1B8E;
	[sflag:s24] =	ssyncadd.s32 $0xFFFFFFFF  }
0xa7: {  	s26 =	simm.s32 $execute0_lowered;
	[smem:$0x3FD2] =	sst s25  }
0xa8: {  	s6 =	sshll.u32 s26, $0x1;
	_ =	strace $0x80000046;
	[dreg:$0x1] =	wrdreg $0xFFFFFFFF  }
0xa9: {  	s28 =	simm.s32 $_size_execute0_lowered;
	s5 =	sadd.s32 s5, s6;
	[dreg:$0x0] =	wrdreg $0x0  }
0xaa: {  	s6 =	sshll.u32 s28, $0x1;
	[dreg:$0x2] =	wrdreg s5  }
0xab: {  	[dreg:$0x3] =	wrdreg s6  }
0xac: {  	[dreg:$0x4] =	wrdreg $0xC0  }
0xad: {  	_ =	task [dreg:s9], $0x5FFFF  }
0xae: {  	[dreg:$0x1] =	wrdreg $0xFFFFFFFF  }
0xaf: {  	[dreg:$0x0] =	wrdreg $0x60  }
0xb0: {  	[dreg:$0x2] =	wrdreg s2  }
0xb1: {  	[dreg:$0x3] =	wrdreg s19  }
0xb2: {  	[dreg:$0x4] =	wrdreg s4  }
0xb3: {  	[dreg:$0x5] =	wrdreg $0x9  }
0xb4: {  	_ =	task.clear_ibuf [dreg:s9], $0x6FFFF;
	_ =	strace $0x90000046  }
0xb5: {  	s29 =	simm.s32 $0x9;
	_ =	strace $0x80000048  }
0xb6: {  	_ =	swait.ge [sflag:s29], $0x1  }
0xb7: {  	[sflag:s29] =	ssyncadd.s32 $0xFFFFFFFF  }
0xb8: {  	_ =	strace $0x90000048  }
0xb9: {  	_ =	sfence  }
0xba: {  	s30 =	sld [smem:$0x0];
	_ =	sdelay $0x2  }
0xbb: {  	s31 =	sshll.u32 s1, $0xD;
	s1 =	sshrl.u32 s1, $0x2  }
0xbc: {  	s3 =	sand.u32 $0x4000, s31;
	s1 =	sadd.s32 s1, s30  }
0xbd: {  	s0 =	sor.u32 s3, s0;
	s1 =	sshll.u32 s1, $0x11  }
0xbe: {  	s0 =	sor.u32 s1, s0  }
0xbf: {  	s0 =	sadd.s32 $0x8F2B, s0  }
0xc0: {  	[sflag:s0] =	ssyncadd.remote.s32 $0x1  }
0xc1: {  	_ =	sfence.sel $0xFFFF  }
0xc2: {  	[dreg:$0x0] =	wrdreg $0xFFFFFFFF;
	(pc) =	sbr.abs _section_cstart, $3  }
0xc3: {  	[dreg:$0x1] =	wrdreg $0xFFFFFFFF  }
0xc4: {  	_ =	task.clear_ibuf [dreg:s9], $0x2FFFF;
	_ =	strace $0x9FFFFFFF  }
0xc5: {  	(tm) =	ssettm $0x7FFFFFFF  }
tec
execute0_lowered:
.L_overlay_start_1:
0x0: {  	(tag) =	ssettag $0x1  }
0x1: {  	s4 =	rddreg [dreg:$0x0]  }
0x2: {  	s2 =	rddreg [dreg:$0x1];
	s1 =	srdreg.scid  }
0x3: {  	s0 =	stileid.u32;
	s12 =	rddreg [dreg:$0x2];
	s7 =	simm.s32 $0x3  }
0x4: {  	s19 =	sand.u32 $0x1, s1;
	s3 =	sshll.u32 s0, $0x1;
	s1 =	rddreg [dreg:$0x3]  }
0x5: {  	s5 =	sshll.u32 s0, $0x2;
	s13 =	sor.u32 s19, s3;
	s3 =	simm.s32 $0x0  }
0x6: {  	s5 =	sand.u32 $0x30, s5;
	s6 =	sshll.u32 s13, $0x9;
	[smem:$0x7FF] =	sst s3  }
0x7: {  	s4 =	sadd.s32 s4, s5;
	s5 =	simm.s32 $0x80;
	s6 =	sand.u32 $0xE00, s6  }
0x8: {  	_ =	strace $0x80000047;
	s4 =	sadd.s32 s6, s4;
	s6 =	simm.s32 $0x200  }
0x9: {  	[tilespmem:s3], [sflag:$0x3] =	stream.strided.gather [hbm4b:s4+s5], $0x400, s6, s5, $0x38;
	[tilespmem:$0x18400] =	vst v63  }
0xa: {  	_ =	swait.ge [sflag:s7], $0x400  }
0xb: {  	[sflag:s7] =	ssyncset.done $0x0  }
0xc: {  	s8 =	simm.s32 $0x100;
	s9 =	simm.s32 $0x400;
	[sflag:s7] =	ssyncadd.s32 $0xFFFFFC00  }
0xd: {  	[tilespmem:s9], [sflag:$0x1] =	stream.indirect.gather [hbm4b:s2+s8], $0x80, s3, s8, $0xb8;
	[tilespmem:$0x18400] =	vst v63  }
0xe: {  	s10 =	simm.s32 $0x8400;
	s11 =	simm.s32 $0x1  }
0xf: {  	[tilespmem:s10], [sflag:$0x1] =	stream.indirect.gather [hbm4b:s2+s8], $0x80, s8, s8, $0xb8;
	[tilespmem:$0x18400] =	vst v63  }
0x10: {  	_ =	swait.ge [sflag:s11], $0x8000  }
0x11: {  	s13 =	sshll.u32 s13, $0xE;
	[sflag:s11] =	ssyncset.done $0x0  }
0x12: {  	s12 =	sadd.s32 s12, s13;
	[sflag:s11] =	ssyncadd.s32 $0xFFFF8000  }
0x13: {  	[hbm4b:s12+s3] =	stream.linear.scatter [tilespmem:s9], [sflag:$0x2], $0x8000, $0x38;
	[tilespmem:$0x18400] =	vst v63  }
0x14: {  	s13 =	simm.s32 $0x10400  }
0x15: {  	[tilespmem:s13], [sflag:$0x1] =	stream.indirect.gather [hbm4b:s2+s8], $0x80, s6, s8, $0xb8;
	[tilespmem:$0x18400] =	vst v63  }
0x16: {  	_ =	swait.ge [sflag:s11], $0x8000  }
0x17: {  	[sflag:s11] =	ssyncset.done $0x0  }
0x18: {  	s14 =	simm.s32 $0x2;
	s15 =	sadd.s32 $0x1000, s12;
	[sflag:s11] =	ssyncadd.s32 $0xFFFF8000  }
0x19: {  	[hbm4b:s15+s3] =	stream.linear.scatter [tilespmem:s10], [sflag:$0x2], $0x8000, $0x38;
	[tilespmem:$0x18400] =	vst v63  }
0x1a: {  	_ =	swait.ge [sflag:s14], $0x8000  }
0x1b: {  	[sflag:s14] =	ssyncset.done $0x0  }
0x1c: {  	s16 =	simm.s32 $0x300;
	[sflag:s14] =	ssyncadd.s32 $0xFFFF8000  }
0x1d: {  	[tilespmem:s9], [sflag:$0x1] =	stream.indirect.gather [hbm4b:s2+s8], $0x80, s16, s8, $0xb8;
	[tilespmem:$0x18400] =	vst v63  }
0x1e: {  	_ =	swait.ge [sflag:s11], $0x8000  }
0x1f: {  	[sflag:s11] =	ssyncset.done $0x0  }
0x20: {  	s17 =	sadd.s32 $0x2000, s12;
	[sflag:s11] =	ssyncadd.s32 $0xFFFF8000  }
0x21: {  	[hbm4b:s17+s3] =	stream.linear.scatter [tilespmem:s13], [sflag:$0x2], $0x8000, $0x38;
	[tilespmem:$0x18400] =	vst v63  }
0x22: {  	_ =	swait.ge [sflag:s11], $0x8000  }
0x23: {  	s19 =	ssub.s32 $0x2, s19;
	[sflag:s11] =	ssyncset.done $0x0  }
0x24: {  	s20 =	sshrl.u32 s19, $0x1;
	s18 =	sadd.s32 $0x3000, s12;
	[sflag:s11] =	ssyncadd.s32 $0xFFFF8000  }
0x25: {  	[hbm4b:s18+s3] =	stream.linear.scatter [tilespmem:s9], [sflag:$0x2], $0x8000, $0x38;
	[tilespmem:$0x18400] =	vst v63  }
0x26: {  	s19 =	ssub.s32 s19, s20;
	_ =	swait.ge [sflag:s14], $0x8000  }
0x27: {  	s19 =	smax.u32 s19, $0x1;
	[sflag:s14] =	ssyncset.done $0x0  }
0x28: {  	p0 =	sne.s32 s19, $0x1;
	[sflag:s14] =	ssyncadd.s32 $0xFFFF8000  }
.Ltmp0:
0x29: {  	_ =	swait.ge [sflag:s14], $0x8000;
	(pc) =	sbr.rel @!p0 .LBB2_2-.Ltmp0, $4  }
0x2a: {  	[sflag:s14] =	ssyncset.done $0x0  }
0x2b: {  	[sflag:s14] =	ssyncadd.s32 $0xFFFF8000  }
0x2c: {  	_ =	swait.ge [sflag:s14], $0x8000  }
0x2d: {  	s19 =	sadd.s32 $0xFFFFFFFF, s19;
	[sflag:s14] =	ssyncset.done $0x0  }
.LBB2_1:
0x2e: {  	p0 =	sne.s32 s19, $0x1;
	s19 =	sadd.s32 $0xFFFFFFFF, s19;
	[sflag:s14] =	ssyncadd.s32 $0xFFFF8000  }
0x2f: {  	[tilespmem:s3], [sflag:$0x3] =	stream.strided.gather [hbm4b:s4+s5], $0x400, s6, s5, $0x38;
	[tilespmem:$0x18400] =	vst v63  }
0x30: {  	_ =	swait.ge [sflag:s7], $0x400  }
0x31: {  	[sflag:s7] =	ssyncset.done $0x0  }
0x32: {  	[sflag:s7] =	ssyncadd.s32 $0xFFFFFC00  }
0x33: {  	[tilespmem:s9], [sflag:$0x1] =	stream.indirect.gather [hbm4b:s2+s8], $0x80, s3, s8, $0xb8;
	[tilespmem:$0x18400] =	vst v63  }
0x34: {  	_ = 	snop  }
0x35: {  	[tilespmem:s10], [sflag:$0x1] =	stream.indirect.gather [hbm4b:s2+s8], $0x80, s8, s8, $0xb8;
	[tilespmem:$0x18400] =	vst v63  }
0x36: {  	_ =	swait.ge [sflag:s11], $0x8000  }
0x37: {  	[sflag:s11] =	ssyncset.done $0x0  }
0x38: {  	[sflag:s11] =	ssyncadd.s32 $0xFFFF8000  }
0x39: {  	[hbm4b:s12+s3] =	stream.linear.scatter [tilespmem:s9], [sflag:$0x2], $0x8000, $0x38;
	[tilespmem:$0x18400] =	vst v63  }
0x3a: {  	_ = 	snop  }
0x3b: {  	[tilespmem:s13], [sflag:$0x1] =	stream.indirect.gather [hbm4b:s2+s8], $0x80, s6, s8, $0xb8;
	[tilespmem:$0x18400] =	vst v63  }
0x3c: {  	_ =	swait.ge [sflag:s11], $0x8000  }
0x3d: {  	[sflag:s11] =	ssyncset.done $0x0  }
0x3e: {  	[sflag:s11] =	ssyncadd.s32 $0xFFFF8000  }
0x3f: {  	[hbm4b:s15+s3] =	stream.linear.scatter [tilespmem:s10], [sflag:$0x2], $0x8000, $0x38;
	[tilespmem:$0x18400] =	vst v63  }
0x40: {  	_ =	swait.ge [sflag:s14], $0x8000  }
0x41: {  	[sflag:s14] =	ssyncset.done $0x0  }
0x42: {  	[sflag:s14] =	ssyncadd.s32 $0xFFFF8000  }
0x43: {  	[tilespmem:s9], [sflag:$0x1] =	stream.indirect.gather [hbm4b:s2+s8], $0x80, s16, s8, $0xb8;
	[tilespmem:$0x18400] =	vst v63  }
0x44: {  	_ =	swait.ge [sflag:s11], $0x8000  }
0x45: {  	[sflag:s11] =	ssyncset.done $0x0  }
0x46: {  	[sflag:s11] =	ssyncadd.s32 $0xFFFF8000  }
0x47: {  	[hbm4b:s17+s3] =	stream.linear.scatter [tilespmem:s13], [sflag:$0x2], $0x8000, $0x38;
	[tilespmem:$0x18400] =	vst v63  }
0x48: {  	_ =	swait.ge [sflag:s11], $0x8000  }
0x49: {  	[sflag:s11] =	ssyncset.done $0x0  }
0x4a: {  	[sflag:s11] =	ssyncadd.s32 $0xFFFF8000  }
0x4b: {  	[hbm4b:s18+s3] =	stream.linear.scatter [tilespmem:s9], [sflag:$0x2], $0x8000, $0x38;
	[tilespmem:$0x18400] =	vst v63  }
0x4c: {  	_ =	swait.ge [sflag:s14], $0x8000  }
0x4d: {  	[sflag:s14] =	ssyncset.done $0x0  }
0x4e: {  	[sflag:s14] =	ssyncadd.s32 $0xFFFF8000  }
.Ltmp1:
0x4f: {  	_ =	swait.ge [sflag:s14], $0x8000;
	(pc) =	sbr.rel @p0 .LBB2_1-.Ltmp1, $4  }
0x50: {  	[sflag:s14] =	ssyncset.done $0x0  }
0x51: {  	[sflag:s14] =	ssyncadd.s32 $0xFFFF8000  }
0x52: {  	_ =	swait.ge [sflag:s14], $0x8000  }
0x53: {  	[sflag:s14] =	ssyncset.done $0x0  }
.LBB2_2:
0x54: {  	[sflag:s14] =	ssyncadd.s32 $0xFFFF8000  }
0x55: {  	_ =	sfence.sel $0x180000  }
0x56: {  	[bflag:$0x0] =	sbarrier.arrive $0xFFFF  }
0x57: {  	p0 =	sne.s32 s0, $0x0;
	_ =	strace $0x90000047  }
0x58: {  	s0 =	sadd.s32 @!p0 $0x100000, s1;
	[bflag:$0x2] =	sbarrier.arrive $0xFFFF  }
0x59: {  	[sflag:s0] =	ssyncadd.tile.s32 @!p0 $0x1;
	_ =	shalt  }
.Lfunc_end2:
_tile_overlayer_lowered:
.L_overlay_start_2:
0x5a: {  	(tag) =	ssettag $0x2  }
0x5b: {  	s0 =	rddreg [dreg:$0x0];
	s2 =	stileid.u32  }
0x5c: {  	s1 =	rddreg [dreg:$0x1];
	p0 =	sne.s32 s2, $0x0  }
0x5d: {  	s3 =	rddreg [dreg:$0x2];
	[bflag:$0x3] =	sbarrier.arrive $0xFFFF;
	s2 =	simm.s32 @!p0 $0x1C03  }
0x5e: {  	[timem:s3], [sflag:s2] =	dma.local @!p0 [hbm:s0], s1  }
0x5f: {  	s0 =	simm.s32 @!p0 $0x3  }
0x60: {  	_ =	swait.ge @!p0 [sflag:s0], s1  }
0x61: {  	s1 =	ssub.s32 @!p0 $0x0, s1;
	[sflag:s0] =	ssyncset.done @!p0 $0x0  }
0x62: {  	[sflag:s0] =	ssyncadd.s32 @!p0 s1  }
0x63: {  	[bflag:$0x3] =	sbarrier.arrive $0xFFFF  }
0x64: {  	_ =	shalt  }

</sc_bundles>
